<compile_context>
chip_gen: v7x
topology: tpu7x:2x2x1
jax: 0.10.2.dev20260603
libtpu: 0.0.44.dev20260713+nightly
codegen_flags: <defaults>
</compile_context>

<pallas_src>
import jax
import jax.numpy as jnp
from jax import lax
from jax.experimental import pallas as pl
from jax.experimental.pallas import tpu as pltpu
from jax.experimental.pallas import tpu_sc as plsc

_HIDDEN = 1024
_BUF = 4096
_NC = 2
_NS = 16
_ROW = _BUF // (_NC * _NS)
_ROW_BLOCK = 4096


def _sc_segment_sum_body(idx_hbm, sm_hbm, w_hbm, idx_v, sm_v, zero_v, w_shared,
                         sem_i, sem_s):
    cid = lax.axis_index("c")
    sid = lax.axis_index("s")
    row = sid * _NC + cid

    cp_i = pltpu.async_copy(idx_hbm.at[pl.ds(row * _ROW, _ROW)], idx_v, sem_i)
    cp_s = pltpu.async_copy(sm_hbm.at[pl.ds(row * _ROW, _ROW)], sm_v, sem_s)

    zseg = _HIDDEN // _NS
    zeros = jnp.zeros((16,), jnp.float32)
    for k in range(zseg // 16):
        zero_v[pl.ds(k * 16, 16)] = zeros
    pltpu.sync_copy(zero_v, w_shared.at[pl.ds(sid * zseg, zseg)])

    cp_i.wait()
    cp_s.wait()
    plsc.subcore_barrier()
    pltpu.sync_copy(sm_v, w_shared.at[idx_v], add=True)
    plsc.subcore_barrier()

    @pl.when(sid == 0)
    def _():
        pltpu.sync_copy(w_shared, w_hbm.at[cid])


def _sc_segment_sum(top_k_indices, smooth_f32):
    mesh = plsc.VectorSubcoreMesh(core_axis_name="c", subcore_axis_name="s")
    fn = pl.kernel(
        _sc_segment_sum_body,
        out_type=jax.ShapeDtypeStruct((_NC, _HIDDEN), jnp.float32),
        mesh=mesh,
        scratch_types=[
            pltpu.VMEM((_ROW,), jnp.int32),
            pltpu.VMEM((_ROW,), jnp.float32),
            pltpu.VMEM((_HIDDEN // _NS,), jnp.float32),
            pltpu.VMEM_SHARED((_HIDDEN,), jnp.float32),
            pltpu.SemaphoreType.DMA,
            pltpu.SemaphoreType.DMA,
        ],
    )
    return fn(top_k_indices, smooth_f32)


def _tc_scale_body(wp_ref, x_ref, o_ref):
    w = jnp.sum(wp_ref[...], axis=0, keepdims=True)
    o_ref[...] = x_ref[...] * w.astype(jnp.bfloat16)


def _tc_scale(x, w_pair):
    tokens = x.shape[0]
    grid = (tokens // _ROW_BLOCK,)
    return pl.pallas_call(
        _tc_scale_body,
        grid=grid,
        in_specs=[
            pl.BlockSpec((_NC, _HIDDEN), lambda i: (0, 0)),
            pl.BlockSpec((_ROW_BLOCK, _HIDDEN), lambda i: (i, 0)),
        ],
        out_specs=pl.BlockSpec((_ROW_BLOCK, _HIDDEN), lambda i: (i, 0)),
        out_shape=jax.ShapeDtypeStruct((tokens, _HIDDEN), jnp.bfloat16),
    )(w_pair, x)


@jax.jit
def kernel(x, smooth, top_k_indices):
    w_pair = _sc_segment_sum(top_k_indices, smooth.astype(jnp.float32))
    return _tc_scale(x, w_pair)

# --- scband reference (transcript-rebuilt; emitter-appended) ---
"""Pipeline reference for scband-fast-post-smooth-layer-80290118632064 (READ-ONLY COPY).

The authoritative reference and input builder live on the scoring server;
editing this copy changes nothing except your own understanding.
"""

import jax, jax.numpy as jnp
import numpy as np

HIDDEN_DIM = 1024
TOP_K = 2
TOKENS = 32768
BUF_LEN = 2 * HIDDEN_DIM * TOP_K  # 4096


def setup_inputs(seed: int = 0) -> dict:
    key = jax.random.key(seed)
    k_x, k_s, k_i = jax.random.split(key, 3)
    x = jax.random.normal(k_x, (TOKENS, HIDDEN_DIM), dtype=jnp.float32).astype(jnp.bfloat16)
    # 'smooth' buffer (initialized to ones in the module; use rand-ish positive values per spec)
    smooth = jax.random.uniform(k_s, (BUF_LEN,), dtype=jnp.float32).astype(jnp.bfloat16)
    # 'top_k_indices' buffer: column indices into hidden_dim
    top_k_indices = jax.random.randint(k_i, (BUF_LEN,), 0, HIDDEN_DIM, dtype=jnp.int32)
    return {"x": x, "smooth": smooth, "top_k_indices": top_k_indices}


def reference(x, smooth, top_k_indices):
    # FastPostSmoothLayer: gather selected hidden-dim columns per token,
    # scale by the per-slot smoothing factors, and scatter-add back into
    # a zero-initialized output of the same shape as x.
    gathered = jnp.take(x, top_k_indices, axis=1)  # [T, BUF_LEN]
    scaled = gathered * smooth[None, :]
    out = jnp.zeros_like(x).at[:, top_k_indices].add(scaled)
    return out

if __name__ == "__main__":
    import jax
    _d = setup_inputs()
    print(jax.jit(kernel)(*tuple(_d.values())))

</pallas_src>

<mosaic_0001>
#map = affine_map<(d0, d1) -> (0)>
#map1 = affine_map<(d0, d1) -> (0, 0)>
module attributes {stable_mosaic.version = 14 : i64} {
  func.func @_sc_segment_sum_body(%arg0: i32, %arg1: i32, %arg2: memref<4096xi32, #tpu.memory_space<hbm>>, %arg3: memref<4096xf32, #tpu.memory_space<hbm>>, %arg4: memref<2x1024xf32, #tpu.memory_space<hbm>>, %arg5: memref<128xi32, #tpu.memory_space<vmem>>, %arg6: memref<128xf32, #tpu.memory_space<vmem>>, %arg7: memref<64xf32, #tpu.memory_space<vmem>>, %arg8: memref<1024xf32, #tpu.memory_space<vmem_shared>>, %arg9: memref<!tpu.dma_semaphore, #tpu.memory_space<semaphore_mem>>, %arg10: memref<!tpu.dma_semaphore, #tpu.memory_space<semaphore_mem>>) attributes {dimension_semantics = [#tpu.dimension_semantics<core_parallel>, #tpu.dimension_semantics<subcore_parallel>], iteration_bounds = array<i64: 2, 16>, scalar_prefetch = 0 : i64, scratch_operands = 6 : i64, tpu.core_type = #tpu.core_type<sc_vector_subcore>, window_params = [{transform_indices = #map}, {transform_indices = #map}, {transform_indices = #map1}]} {
    %mul3A = arith.constant 2 : i32
    %mul3A_0 = arith.muli %arg1, %mul3A : i32
    %add3A = arith.addi %mul3A_0, %arg0 : i32
    %mul3A_1 = arith.constant 128 : i32
    %mul3A_2 = arith.muli %add3A, %mul3A_1 : i32
    %dma_start3A = tpu.memref_slice %arg2[%mul3A_2] : memref<4096xi32, #tpu.memory_space<hbm>> -> memref<128xi32, #tpu.memory_space<hbm>>
    %dma_start3A_3 = tpu.memref_slice %arg2[%mul3A_2] : memref<4096xi32, #tpu.memory_space<hbm>> -> memref<128xi32, #tpu.memory_space<hbm>>
    tpu.enqueue_dma source(%dma_start3A_3 : memref<128xi32, #tpu.memory_space<hbm>>) target(%arg5 : memref<128xi32, #tpu.memory_space<vmem>>) target_semaphore(%arg9 : memref<!tpu.dma_semaphore, #tpu.memory_space<semaphore_mem>>)
    %mul3A_4 = arith.constant 128 : i32
    %mul3A_5 = arith.muli %add3A, %mul3A_4 : i32
    %dma_start3A_6 = tpu.memref_slice %arg3[%mul3A_5] : memref<4096xf32, #tpu.memory_space<hbm>> -> memref<128xf32, #tpu.memory_space<hbm>>
    %dma_start3A_7 = tpu.memref_slice %arg3[%mul3A_5] : memref<4096xf32, #tpu.memory_space<hbm>> -> memref<128xf32, #tpu.memory_space<hbm>>
    tpu.enqueue_dma source(%dma_start3A_7 : memref<128xf32, #tpu.memory_space<hbm>>) target(%arg6 : memref<128xf32, #tpu.memory_space<vmem>>) target_semaphore(%arg10 : memref<!tpu.dma_semaphore, #tpu.memory_space<semaphore_mem>>)
    %broadcast_in_dim3A = arith.constant 0.000000e+00 : f32
    %broadcast_in_dim3A_8 = vector.broadcast %broadcast_in_dim3A : f32 to vector<16xf32>
    %swap3A = arith.constant 0 : index
    %swap3A_9 = tpu.vector_load %arg7[%swap3A] {strides = array<i32>} : memref<64xf32, #tpu.memory_space<vmem>>, vector<16xf32>,
    %swap3A_10 = vector.shape_cast %swap3A_9 : vector<16xf32> to vector<16xf32>
    %swap3A_11 = vector.shape_cast %broadcast_in_dim3A_8 : vector<16xf32> to vector<16xf32>
    tpu.vector_store %arg7[%swap3A], %swap3A_11 {strides = array<i32>} : memref<64xf32, #tpu.memory_space<vmem>>, vector<16xf32>,
    %swap3A_12 = arith.constant 16 : index
    %swap3A_13 = tpu.vector_load %arg7[%swap3A_12] {strides = array<i32>} : memref<64xf32, #tpu.memory_space<vmem>>, vector<16xf32>,
    %swap3A_14 = vector.shape_cast %swap3A_13 : vector<16xf32> to vector<16xf32>
    %swap3A_15 = vector.shape_cast %broadcast_in_dim3A_8 : vector<16xf32> to vector<16xf32>
    tpu.vector_store %arg7[%swap3A_12], %swap3A_15 {strides = array<i32>} : memref<64xf32, #tpu.memory_space<vmem>>, vector<16xf32>,
    %swap3A_16 = arith.constant 32 : index
    %swap3A_17 = tpu.vector_load %arg7[%swap3A_16] {strides = array<i32>} : memref<64xf32, #tpu.memory_space<vmem>>, vector<16xf32>,
    %swap3A_18 = vector.shape_cast %swap3A_17 : vector<16xf32> to vector<16xf32>
    %swap3A_19 = vector.shape_cast %broadcast_in_dim3A_8 : vector<16xf32> to vector<16xf32>
    tpu.vector_store %arg7[%swap3A_16], %swap3A_19 {strides = array<i32>} : memref<64xf32, #tpu.memory_space<vmem>>, vector<16xf32>,
    %swap3A_20 = arith.constant 48 : index
    %swap3A_21 = tpu.vector_load %arg7[%swap3A_20] {strides = array<i32>} : memref<64xf32, #tpu.memory_space<vmem>>, vector<16xf32>,
    %swap3A_22 = vector.shape_cast %swap3A_21 : vector<16xf32> to vector<16xf32>
    %swap3A_23 = vector.shape_cast %broadcast_in_dim3A_8 : vector<16xf32> to vector<16xf32>
    tpu.vector_store %arg7[%swap3A_20], %swap3A_23 {strides = array<i32>} : memref<64xf32, #tpu.memory_space<vmem>>, vector<16xf32>,
    %mul3A_24 = arith.constant 64 : i32
    %mul3A_25 = arith.muli %arg1, %mul3A_24 : i32
    "tpu.region"() ({
      %run_scoped3A = tpu.sem_alloc : memref<!tpu.dma_semaphore, #tpu.memory_space<semaphore_mem>>
      %dma_start3A_32 = tpu.memref_slice %arg8[%mul3A_25] : memref<1024xf32, #tpu.memory_space<vmem_shared>> -> memref<64xf32, #tpu.memory_space<vmem_shared>>
      %dma_start3A_33 = tpu.memref_slice %arg8[%mul3A_25] : memref<1024xf32, #tpu.memory_space<vmem_shared>> -> memref<64xf32, #tpu.memory_space<vmem_shared>>
      tpu.enqueue_dma source(%arg7 : memref<64xf32, #tpu.memory_space<vmem>>) target(%dma_start3A_33 : memref<64xf32, #tpu.memory_space<vmem_shared>>) target_semaphore(%run_scoped3A : memref<!tpu.dma_semaphore, #tpu.memory_space<semaphore_mem>>)
      %dma_wait3A_34 = tpu.memref_slice %arg8[%mul3A_25] : memref<1024xf32, #tpu.memory_space<vmem_shared>> -> memref<64xf32, #tpu.memory_space<vmem_shared>>
      %dma_wait3A_35 = tpu.memref_slice %arg8[%mul3A_25] : memref<1024xf32, #tpu.memory_space<vmem_shared>> -> memref<64xf32, #tpu.memory_space<vmem_shared>>
      tpu.wait_dma2 semaphore(%run_scoped3A : memref<!tpu.dma_semaphore, #tpu.memory_space<semaphore_mem>>) src(%arg7 : memref<64xf32, #tpu.memory_space<vmem>>) dst(%dma_wait3A_35 : memref<64xf32, #tpu.memory_space<vmem_shared>>)
      tpu.yield
    }) : () -> ()
    %dma_wait3A = tpu.memref_slice %arg2[%mul3A_2] : memref<4096xi32, #tpu.memory_space<hbm>> -> memref<128xi32, #tpu.memory_space<hbm>>
    %dma_wait3A_26 = tpu.memref_slice %arg2[%mul3A_2] : memref<4096xi32, #tpu.memory_space<hbm>> -> memref<128xi32, #tpu.memory_space<hbm>>
    tpu.wait_dma2 semaphore(%arg9 : memref<!tpu.dma_semaphore, #tpu.memory_space<semaphore_mem>>) src(%dma_wait3A_26 : memref<128xi32, #tpu.memory_space<hbm>>) dst(%arg5 : memref<128xi32, #tpu.memory_space<vmem>>)
    %dma_wait3A_27 = tpu.memref_slice %arg3[%mul3A_5] : memref<4096xf32, #tpu.memory_space<hbm>> -> memref<128xf32, #tpu.memory_space<hbm>>
    %dma_wait3A_28 = tpu.memref_slice %arg3[%mul3A_5] : memref<4096xf32, #tpu.memory_space<hbm>> -> memref<128xf32, #tpu.memory_space<hbm>>
    tpu.wait_dma2 semaphore(%arg10 : memref<!tpu.dma_semaphore, #tpu.memory_space<semaphore_mem>>) src(%dma_wait3A_28 : memref<128xf32, #tpu.memory_space<hbm>>) dst(%arg6 : memref<128xf32, #tpu.memory_space<vmem>>)
    %barrier3A = arith.constant 0 : index
    tpu.barrier barrier_id(%barrier3A)
    "tpu.region"() ({
      %run_scoped3A = tpu.sem_alloc : memref<!tpu.dma_semaphore, #tpu.memory_space<semaphore_mem>>
      %dma_start3A_32 = arith.constant 0 : i32
      %dma_start3A_33 = tpu.memref_slice %arg8[%dma_start3A_32] : memref<1024xf32, #tpu.memory_space<vmem_shared>> -> memref<1024xf32, #tpu.memory_space<vmem_shared>>
      tpu.enqueue_indirect_dma source(%arg6 : memref<128xf32, #tpu.memory_space<vmem>>) target(%dma_start3A_33 : memref<1024xf32, #tpu.memory_space<vmem_shared>>) offsets(%arg5 : memref<128xi32, #tpu.memory_space<vmem>>) semaphore(%run_scoped3A : memref<!tpu.dma_semaphore, #tpu.memory_space<semaphore_mem>>) {add = true}
      %dma_wait3A_34 = arith.constant 0 : i32
      %dma_wait3A_35 = tpu.memref_slice %arg8[%dma_wait3A_34] : memref<1024xf32, #tpu.memory_space<vmem_shared>> -> memref<1024xf32, #tpu.memory_space<vmem_shared>>
      tpu.wait_indirect_dma semaphore(%run_scoped3A : memref<!tpu.dma_semaphore, #tpu.memory_space<semaphore_mem>>) src(%arg6 : memref<128xf32, #tpu.memory_space<vmem>>) dst(%dma_wait3A_35 : memref<1024xf32, #tpu.memory_space<vmem_shared>>)
      tpu.yield
    }) : () -> ()
    %barrier3A_29 = arith.constant 0 : index
    tpu.barrier barrier_id(%barrier3A_29)
    %eq3A = arith.constant 0 : i32
    %eq3A_30 = arith.cmpi eq, %arg1, %eq3A : i32
    %convert_element_type3A = arith.extui %eq3A_30 : i1 to i32
    %cond3A = arith.constant 0 : i32
    %cond3A_31 = arith.cmpi ne, %convert_element_type3A, %cond3A : i32
    scf.if %cond3A_31 {
      "tpu.region"() ({
        %run_scoped3A = tpu.sem_alloc : memref<!tpu.dma_semaphore, #tpu.memory_space<semaphore_mem>>
        %dma_start3A_32 = arith.constant 0 : i32
        %dma_start3A_33 = tpu.memref_slice %arg4[%arg0, %dma_start3A_32] : memref<2x1024xf32, #tpu.memory_space<hbm>> -> memref<1x1024xf32, #tpu.memory_space<hbm>>
        %dma_start3A_34 = tpu.memref_squeeze %dma_start3A_33 : memref<1x1024xf32, #tpu.memory_space<hbm>> -> memref<1024xf32, #tpu.memory_space<hbm>>
        tpu.enqueue_dma source(%arg8 : memref<1024xf32, #tpu.memory_space<vmem_shared>>) target(%dma_start3A_34 : memref<1024xf32, #tpu.memory_space<hbm>>) target_semaphore(%run_scoped3A : memref<!tpu.dma_semaphore, #tpu.memory_space<semaphore_mem>>)
        %dma_wait3A_35 = arith.constant 0 : i32
        %dma_wait3A_36 = tpu.memref_slice %arg4[%arg0, %dma_wait3A_35] : memref<2x1024xf32, #tpu.memory_space<hbm>> -> memref<1x1024xf32, #tpu.memory_space<hbm>>
        %dma_wait3A_37 = tpu.memref_squeeze %dma_wait3A_36 : memref<1x1024xf32, #tpu.memory_space<hbm>> -> memref<1024xf32, #tpu.memory_space<hbm>>
        tpu.wait_dma2 semaphore(%run_scoped3A : memref<!tpu.dma_semaphore, #tpu.memory_space<semaphore_mem>>) src(%arg8 : memref<1024xf32, #tpu.memory_space<vmem_shared>>) dst(%dma_wait3A_37 : memref<1024xf32, #tpu.memory_space<hbm>>)
        tpu.yield
      }) : () -> ()
    } else {
    }
    return
  }
}

module attributes {stable_mosaic.version = 14 : i64} {
  func.func @_tc_scale_body(%arg0: i32, %arg1: memref<2x1024xf32, #tpu.memory_space<vmem>>, %arg2: memref<4096x1024xbf16, #tpu.memory_space<vmem>>, %arg3: memref<4096x1024xbf16, #tpu.memory_space<vmem>>) attributes {dimension_semantics = [#tpu.dimension_semantics<arbitrary>], iteration_bounds = array<i64: 8>, scalar_prefetch = 0 : i64, scratch_operands = 0 : i64, tpu.core_type = #tpu.core_type<tc>, window_params = [{pipeline_mode = #tpu.pipeline_mode<synchronous>, transform_indices = @transform_0, window_bounds = array<i64: 2, 1024>}, {transform_indices = @transform_1, window_bounds = array<i64: 4096, 1024>}, {transform_indices = @transform_2, window_bounds = array<i64: 4096, 1024>}]} {
    %get3A = arith.constant 0 : index
    %get3A_0 = arith.constant 0 : index
    %get3A_1 = vector.load %arg1[%get3A, %get3A_0] : memref<2x1024xf32, #tpu.memory_space<vmem>>, vector<2x1024xf32>
    %reduce_sum3A = arith.constant dense<0.000000e+00> : vector<1024xf32>
    %reduce_sum3A_2 = vector.multi_reduction <add>, %get3A_1, %reduce_sum3A [0] : vector<2x1024xf32> to vector<1024xf32>
    %broadcast_in_dim3A = vector.shape_cast %reduce_sum3A_2 : vector<1024xf32> to vector<1x1024xf32>
    %get3A_3 = arith.constant 0 : index
    %get3A_4 = arith.constant 0 : index
    %get3A_5 = vector.load %arg2[%get3A_3, %get3A_4] : memref<4096x1024xbf16, #tpu.memory_space<vmem>>, vector<4096x1024xbf16>
    %convert_element_type3A = arith.truncf %broadcast_in_dim3A : vector<1x1024xf32> to vector<1x1024xbf16>
    %mul3A = vector.broadcast %convert_element_type3A : vector<1x1024xbf16> to vector<4096x1024xbf16>
    %mul3A_6 = arith.mulf %get3A_5, %mul3A : vector<4096x1024xbf16>
    %swap3A = arith.constant 0 : index
    %swap3A_7 = arith.constant 0 : index
    %swap3A_8 = vector.load %arg3[%swap3A, %swap3A_7] : memref<4096x1024xbf16, #tpu.memory_space<vmem>>, vector<4096x1024xbf16>
    tpu.vector_store %arg3[%swap3A, %swap3A_7], %mul3A_6 {strides = array<i32>} : memref<4096x1024xbf16, #tpu.memory_space<vmem>>, vector<4096x1024xbf16>,
    return
  }
  func.func @transform_0(%arg0: i32) -> (i32, i32) {
    %c0_i32 = arith.constant 0 : i32
    %c0_i32_0 = arith.constant 0 : i32
    %c0_i32_1 = arith.constant 0 : i32
    return %c0_i32, %c0_i32_0 : i32, i32
  }
  func.func @transform_1(%arg0: i32) -> (i32, i32) {
    %c0_i32 = arith.constant 0 : i32
    %c0_i32_0 = arith.constant 0 : i32
    return %arg0, %c0_i32 : i32, i32
  }
  func.func @transform_2(%arg0: i32) -> (i32, i32) {
    %c0_i32 = arith.constant 0 : i32
    %c0_i32_0 = arith.constant 0 : i32
    return %arg0, %c0_i32 : i32, i32
  }
}

</mosaic_0001>

<sc_bundles>
// kernel: kernel.4.cloned.1.call-start
scs
__scs_entry_jumppad:
0x0: {  	(pc) =	sbr.rel $0x88, $3  }
0x1: {  	(tag) =	ssettag $0x0;
	lr =	simm.s32 $0x1  }
0x2: {  	[smem:$0x3F9E] =	sst lr;
	_ =	strace $0xD0000000  }
0x3: {  	_ = 	snop  }
0x4: {  	_ = 	snop  }
0x5: {  	_ = 	snop  }
0x6: {  	_ = 	snop  }
0x7: {  	_ = 	snop  }
__scs_overlays_trampoline_lowered:
0x8: {  	[smem:$0x3FAD] =	sst s0  }
0x9: {  	[smem:$0x3FAE] =	sst s1  }
0xa: {  	[smem:$0x3FAF] =	sst s2  }
0xb: {  	[smem:$0x3FB0] =	sst s3  }
0xc: {  	[smem:$0x3FB1] =	sst s4  }
0xd: {  	[smem:$0x3FB2] =	sst s5  }
0xe: {  	[smem:$0x3FB3] =	sst s6  }
0xf: {  	[smem:$0x3FB4] =	sst s7  }
0x10: {  	[smem:$0x3FB5] =	sst s8  }
0x11: {  	[smem:$0x3FB6] =	sst s9;
	s0 =	simm.s32 @!p0 $0x0  }
0x12: {  	s1 =	sld [smem:$0x3F9C];
	s0 =	simm.s32 @p0 $0x1  }
0x13: {  	[smem:$0x3FB7] =	sst s0;
	s0 =	simm.s32 @!p1 $0x0  }
0x14: {  	s2 =	sld [smem:$0x3F9B];
	s0 =	simm.s32 @p1 $0x1  }
0x15: {  	[smem:$0x3FB8] =	sst s0;
	s0 =	simm.s32 @!p2 $0x0  }
0x16: {  	s3 =	sld [smem:$0x3FDB];
	s0 =	simm.s32 @p2 $0x1  }
0x17: {  	s4 =	simm.s32 $0x1BF5;
	[smem:$0x3FBA] =	sst s0  }
0x18: {  	s0 =	sld [smem:$0x3F9D];
	_ =	swait.ge [sflag:s4], $0x0  }
0x19: {  	s7 =	sld [smem:$0x3F9E]  }
0x1a: {  	s8 =	sadd.s32 $0xFFFFE003, lr  }
0x1b: {  	s9 =	sadd.s32 $0xFFFFFEF7, lr;
	s5 =	simm.s32 $0xFFFFFFFF;
	p2 =	slt.u32 s8, $0xFFFFF086  }
0x1c: {  	p1 =	slt.u32 s9, $0xF7A;
	s5 =	simm.s32 @!p2 $0x0  }
0x1d: {  	s5 =	simm.s32 @p1 $0x1;
	p0 =	seq.s32 s7, s2  }
0x1e: {  	s7 =	smul.u32 @!p0 $0xF7A, s2;
	p2 =	seq.s32 @!p0 s5, $0x0  }
0x1f: {  	s9 =	smul.u32 $0xF7A, s1;
	s8 =	simm.s32 @!p0 $0x1BF5;
	p2 =	por !p2, p0  }
0x20: {  	[sflag:s8] =	ssyncset.s32 @!p0 $0xFFFFF086;
	s6 =	sadd.s32 @!p0 s3, s7;
	s7 =	simm.s32 @!p0 $0x108  }
0x21: {  	s3 =	sadd.s32 s3, s9;
	s6 =	sadd.s32 @!p0 $0x88, s6;
	s7 =	simm.s32 @p2 $0x1082  }
0x22: {  	[simem:s7], [sflag:s8] =	dma.local @!p0 [hbm:s6], $0xF7A  }
0x23: {  	s9 =	sor.u32 $0xD0000000, s2;
	s6 =	simm.s32 $0x108;
	_ =	swait.ge @!p0 [sflag:s8], $0x0  }
0x24: {  	s3 =	sadd.s32 $0x88, s3;
	s6 =	simm.s32 @!p1 $0x1082;
	[sflag:s4] =	ssyncset.s32 $0xFFFFF086  }
0x25: {  	[simem:s6], [sflag:s4] =	dma.local [hbm:s3], $0xF7A  }
0x26: {  	[smem:$0x3F9E] =	sst s1;
	(tag) =	ssettag s2;
	_ =	strace s9  }
0x27: {  	s1 =	sld [smem:$0x3FAE]  }
0x28: {  	s2 =	sld [smem:$0x3FAF]  }
0x29: {  	s4 =	sld [smem:$0x3FB1]  }
0x2a: {  	p0 =	seq.s32 s5, $0x0;
	s5 =	sld [smem:$0x3FB2]  }
0x2b: {  	s6 =	sld [smem:$0x3FB3]  }
0x2c: {  	s7 =	sld [smem:$0x3FB4]  }
0x2d: {  	s3 =	simm.s32 $0x108;
	s8 =	sld [smem:$0x3FB5]  }
0x2e: {  	s3 =	simm.s32 @!p0 $0x1082;
	s9 =	sld [smem:$0x3FB6]  }
0x2f: {  	lr =	sadd.s32 s0, s3;
	s0 =	sld [smem:$0x3FAD]  }
0x30: {  	s3 =	sld [smem:$0x3FB0]  }
0x31: {  	[smem:$0x3FB9] =	sst s10  }
0x32: {  	s10 =	sld [smem:$0x3FB7];
	_ =	sdelay $0x3  }
0x33: {  	p0 =	seq.s32 s10, $0x1;
	s10 =	sld [smem:$0x3FB9];
	_ =	sdelay $0x3  }
0x34: {  	[smem:$0x3FB9] =	sst s10  }
0x35: {  	s10 =	sld [smem:$0x3FB8];
	_ =	sdelay $0x3  }
0x36: {  	p1 =	seq.s32 s10, $0x1;
	s10 =	sld [smem:$0x3FB9];
	_ =	sdelay $0x3  }
0x37: {  	[smem:$0x3FB9] =	sst s10  }
0x38: {  	s10 =	sld [smem:$0x3FBA]  }
0x39: {  	_ = 	snop;
	(pc) =	sbr.ind lr, $3  }
0x3a: {  	_ = 	snop  }
0x3b: {  	_ = 	snop  }
0x3c: {  	p2 =	seq.s32 s10, $0x1;
	s10 =	sld [smem:$0x3FB9]  }
0x3d: {  	_ =	shalt  }
0x3e: {  	_ =	shalt  }
0x3f: {  	_ =	shalt  }
0x40: {  	_ =	shalt  }
0x41: {  	_ =	shalt  }
0x42: {  	_ =	shalt  }
0x43: {  	_ =	shalt  }
0x44: {  	_ =	shalt  }
0x45: {  	_ =	shalt  }
0x46: {  	_ =	shalt  }
0x47: {  	_ =	shalt  }
0x48: {  	_ =	shalt  }
0x49: {  	_ =	shalt  }
0x4a: {  	_ =	shalt  }
0x4b: {  	_ =	shalt  }
0x4c: {  	_ =	shalt  }
0x4d: {  	_ =	shalt  }
0x4e: {  	_ =	shalt  }
0x4f: {  	_ =	shalt  }
0x50: {  	_ =	shalt  }
0x51: {  	_ =	shalt  }
0x52: {  	_ =	shalt  }
0x53: {  	_ =	shalt  }
0x54: {  	_ =	shalt  }
0x55: {  	_ =	shalt  }
0x56: {  	_ =	shalt  }
0x57: {  	_ =	shalt  }
0x58: {  	_ =	shalt  }
0x59: {  	_ =	shalt  }
0x5a: {  	_ =	shalt  }
0x5b: {  	_ =	shalt  }
0x5c: {  	_ =	shalt  }
0x5d: {  	_ =	shalt  }
0x5e: {  	_ =	shalt  }
0x5f: {  	_ =	shalt  }
0x60: {  	_ =	shalt  }
0x61: {  	_ =	shalt  }
0x62: {  	_ =	shalt  }
0x63: {  	_ =	shalt  }
0x64: {  	_ =	shalt  }
0x65: {  	_ =	shalt  }
0x66: {  	_ =	shalt  }
0x67: {  	_ =	shalt  }
0x68: {  	_ =	shalt  }
0x69: {  	_ =	shalt  }
0x6a: {  	_ =	shalt  }
0x6b: {  	_ =	shalt  }
0x6c: {  	_ =	shalt  }
0x6d: {  	_ =	shalt  }
0x6e: {  	_ =	shalt  }
0x6f: {  	_ =	shalt  }
0x70: {  	_ =	shalt  }
0x71: {  	_ =	shalt  }
0x72: {  	_ =	shalt  }
0x73: {  	_ =	shalt  }
0x74: {  	_ =	shalt  }
0x75: {  	_ =	shalt  }
0x76: {  	_ =	shalt  }
0x77: {  	_ =	shalt  }
0x78: {  	_ =	shalt  }
0x79: {  	_ =	shalt  }
0x7a: {  	_ =	shalt  }
0x7b: {  	_ =	shalt  }
0x7c: {  	_ =	shalt  }
0x7d: {  	_ =	shalt  }
0x7e: {  	_ =	shalt  }
0x7f: {  	_ =	shalt  }
0x80: {  	_ =	shalt  }
0x81: {  	_ =	shalt  }
0x82: {  	_ =	shalt  }
0x83: {  	_ =	shalt  }
0x84: {  	_ =	shalt  }
0x85: {  	_ =	shalt  }
0x86: {  	_ =	shalt  }
0x87: {  	_ =	shalt  }
.Lfunc_end0:
.L_simem_size_0:
called_computation_lowered:
.L_overlay_start_0:
0x88: {  	s2 =	sld [smem:$0x3FD9]  }
0x89: {  	s3 =	sld [smem:$0x3FFE];
	_ =	sdelay $0x1  }
0x8a: {  	s1 =	srdreg.scid  }
0x8b: {  	s0 =	sand.u32 $0x1, s1  }
0x8c: {  	s17 =	sshll.u32 s0, $0xA;
	s2 =	sadd.s32 s3, s2  }
0x8d: {  	s2 =	sadd.s32 s2, s17  }
0x8e: {  	[smem:$0x3FC5] =	sst s2  }
0x8f: {  	_ = 	snop  }
0x90: {  	s2 =	sld [smem:$0x3FC7]  }
0x91: {  	s18 =	sld [smem:$0x3FD0];
	(tm) =	ssettm $0x1  }
0x92: {  	s4 =	sld [smem:$0x3FFB];
	_ =	sdelay $0x3  }
0x93: {  	_ =	strace s4  }
0x94: {  	s4 =	sld [smem:$0x3FFC];
	_ =	sdelay $0x3  }
0x95: {  	_ =	strace s4  }
0x96: {  	s4 =	sld [smem:$0x3FFD];
	_ =	sdelay $0x3  }
0x97: {  	_ =	strace s4  }
0x98: {  	_ =	strace $0x8FFFFFFF  }
0x99: {  	s19 =	sld [smem:$0x3FDB];
	_ =	sdelay $0x1  }
0x9a: {  	s5 =	simm.s32 $_scs_section_size  }
0x9b: {  	s6 =	simm.s32 $_size__tile_overlayer_lowered;
	s7 =	simm.s32 $_tile_overlayer_lowered  }
0x9c: {  	s22 =	simm.s32 $0x1BFF;
	s21 =	sshll.u32 s7, $0x1;
	s4 =	sadd.s32 s5, s19  }
0x9d: {  	s8 =	simm.s32 $0x0;
	s20 =	sshll.u32 s6, $0x1;
	s6 =	sadd.s32 s21, s4  }
0x9e: {  	[timem:s8], [sflag:s22] =	dma.local [hbm:s6], s20  }
0x9f: {  	_ =	swait.ge [sflag:s22], s20  }
0xa0: {  	s5 =	ssub.s32 $0x0, s20;
	[sflag:s22] =	ssyncset.done $0x0  }
0xa1: {  	[sflag:s22] =	ssyncadd.s32 s5;
	_ =	sdelay $0x1  }
0xa2: {  	s23 =	simm.s32 $0x1B8B  }
0xa3: {  	_ =	swait.ge [sflag:s23], $0x1  }
0xa4: {  	[sflag:s23] =	ssyncset.done $0x0  }
0xa5: {  	s25 =	simm.s32 $0x1B8E;
	s24 =	sld [smem:$0x3FFE];
	[sflag:s23] =	ssyncadd.s32 $0xFFFFFFFF  }
0xa6: {  	s26 =	simm.s32 $execute0_lowered;
	[smem:$0x3FD2] =	sst s25  }
0xa7: {  	s6 =	sshll.u32 s26, $0x1;
	_ =	strace $0x80000046;
	[dreg:$0x1] =	wrdreg $0xFFFFFFFF  }
0xa8: {  	s28 =	simm.s32 $_size_execute0_lowered;
	s4 =	sadd.s32 s4, s6;
	[dreg:$0x0] =	wrdreg $0x0  }
0xa9: {  	s6 =	sshll.u32 s28, $0x1;
	[dreg:$0x2] =	wrdreg s4  }
0xaa: {  	[dreg:$0x3] =	wrdreg s6  }
0xab: {  	[dreg:$0x4] =	wrdreg $0xC0  }
0xac: {  	_ =	task [dreg:s8], $0x5FFFF  }
0xad: {  	[dreg:$0x1] =	wrdreg $0xFFFFFFFF  }
0xae: {  	[dreg:$0x0] =	wrdreg $0x60  }
0xaf: {  	[dreg:$0x2] =	wrdreg s2  }
0xb0: {  	[dreg:$0x3] =	wrdreg s18  }
0xb1: {  	[dreg:$0x4] =	wrdreg s24  }
0xb2: {  	[dreg:$0x5] =	wrdreg $0x1800  }
0xb3: {  	[dreg:$0x6] =	wrdreg $0x9  }
0xb4: {  	_ =	task.clear_ibuf [dreg:s8], $0x7FFFF;
	_ =	strace $0x90000046  }
0xb5: {  	s29 =	simm.s32 $0x9;
	_ =	strace $0x80000048  }
0xb6: {  	_ =	swait.ge [sflag:s29], $0x1  }
0xb7: {  	[sflag:s29] =	ssyncadd.s32 $0xFFFFFFFF  }
0xb8: {  	_ =	strace $0x90000048  }
0xb9: {  	_ =	sfence  }
0xba: {  	s30 =	sld [smem:$0x0];
	_ =	sdelay $0x2  }
0xbb: {  	s31 =	sshll.u32 s1, $0xD;
	s1 =	sshrl.u32 s1, $0x2  }
0xbc: {  	s3 =	sand.u32 $0x4000, s31;
	s1 =	sadd.s32 s1, s30  }
0xbd: {  	s0 =	sor.u32 s3, s0;
	s1 =	sshll.u32 s1, $0x11  }
0xbe: {  	s0 =	sor.u32 s1, s0  }
0xbf: {  	s0 =	sadd.s32 $0x8F2B, s0  }
0xc0: {  	[sflag:s0] =	ssyncadd.remote.s32 $0x1  }
0xc1: {  	_ =	sfence.sel $0xFFFF  }
0xc2: {  	[dreg:$0x0] =	wrdreg $0xFFFFFFFF;
	(pc) =	sbr.abs _section_cstart, $3  }
0xc3: {  	[dreg:$0x1] =	wrdreg $0xFFFFFFFF  }
0xc4: {  	_ =	task.clear_ibuf [dreg:s8], $0x2FFFF;
	_ =	strace $0x9FFFFFFF  }
0xc5: {  	(tm) =	ssettm $0x7FFFFFFF  }
tec
execute0_lowered:
.L_overlay_start_1:
0x0: {  	(tag) =	ssettag $0x1  }
0x1: {  	s3 =	rddreg [dreg:$0x0];
	s0 =	srdreg.scid  }
0x2: {  	s4 =	rddreg [dreg:$0x1];
	s13 =	stileid.u32;
	s12 =	sand.u32 $0x1, s0  }
0x3: {  	s11 =	rddreg [dreg:$0x2];
	s6 =	sshll.u32 s13, $0x8;
	s5 =	sshll.u32 s12, $0x7  }
0x4: {  	s1 =	rddreg [dreg:$0x3];
	s2 =	simm.s32 $0x0;
	s5 =	sor.u32 s5, s6  }
0x5: {  	[smem:$0x7FF] =	sst s2;
	s5 =	sshrl.u32 s5, $0x3  }
0x6: {  	s0 =	rddreg [dreg:$0x4];
	_ =	strace $0x80000047;
	s3 =	sadd.s32 s3, s5  }
0x7: {  	[tilespmem:s2], [sflag:$0x1] =	stream.linear.gather [hbm4b:s3+s2], $0x80, $0x38;
	[tilespmem:$0x1C0] =	vst v63  }
0x8: {  	s4 =	sadd.s32 s4, s5;
	s5 =	simm.s32 $0x80  }
0x9: {  	v0 =	vimm.f32 $0.0e+00;
	[tilespmem:s5], [sflag:$0x2] =	stream.linear.gather [hbm4b:s4+s2], $0x80, $0x38;
	[tilespmem:$0x1C0] =	vst v63  }
0xa: {  	[tilespmem:$0x130] =	vst v0  }
0xb: {  	[tilespmem:$0x120] =	vst v0  }
0xc: {  	s6 =	sshrl.u32 s6, $0x2;
	[tilespmem:$0x100] =	vst v0  }
0xd: {  	s7 =	simm.s32 $0x100;
	s8 =	simm.s32 $0x3;
	s6 =	sadd.s32 s6, s1;
	[tilespmem:$0x110] =	vst v0  }
0xe: {  	[spmem:s6] =	stream.linear.scatter [tilespmem:s7], [sflag:$0x3], $0x40, $0x38;
	[tilespmem:$0x1C0] =	vst v63  }
0xf: {  	_ =	swait.ge [sflag:s8], $0x40  }
0x10: {  	[sflag:s8] =	ssyncset.done $0x0  }
0x11: {  	s9 =	simm.s32 $0x1;
	[sflag:s8] =	ssyncadd.s32 $0xFFFFFFC0  }
0x12: {  	_ =	swait.ge [sflag:s9], $0x80  }
0x13: {  	s14 =	sshll.u32 s12, $0x4;
	s12 =	ssub.s32 $0x2, s12;
	[sflag:s9] =	ssyncset.done $0x0  }
0x14: {  	s10 =	simm.s32 $0x2;
	s31 =	sshrl.u32 s12, $0x1;
	[sflag:s9] =	ssyncadd.s32 $0xFFFFFF80  }
0x15: {  	s12 =	ssub.s32 s12, s31;
	_ =	swait.ge [sflag:s10], $0x80  }
0x16: {  	s11 =	sadd.s32 s14, s11;
	s14 =	smax.u32 s12, $0x1;
	[sflag:s10] =	ssyncset.done $0x0  }
0x17: {  	s14 =	sadd.s32 $0xFFFFFFFF, s14;
	[sflag:s10] =	ssyncadd.s32 $0xFFFFFF80  }
0x18: {  	p1 =	sne.s32 s14, $0x0;
	[bflag:$0x0] =	sbarrier.arrive $0xFFFF  }
0x19: {  	[spmem:s1] =	stream.indirect.scatter.add.f32 [tilespmem:s5], [sflag:$0x3], $0x1, s2, s5, $0xb8;
	[tilespmem:$0x1C0] =	vst v63  }
.Ltmp0:
0x1a: {  	_ =	swait.ge [sflag:s8], $0x80;
	(pc) =	sbr.rel @!p1 .LBB2_2-.Ltmp0, $4  }
0x1b: {  	p0 =	sne.s32 s13, $0x0;
	[sflag:s8] =	ssyncset.done $0x0  }
0x1c: {  	s13 =	simm.s32 @!p0 $0x10;
	s15 =	simm.s32 @!p0 $0x1C03;
	[sflag:s8] =	ssyncadd.s32 $0xFFFFFF80  }
0x1d: {  	s16 =	simm.s32 @!p0 $0x1;
	s18 =	simm.s32 @!p0 $0x20;
	[bflag:$0x0] =	sbarrier.arrive $0xFFFF  }
0x1e: {  	s17 =	simm.s32 @!p0 $0x3;
	s11 =	sadd.s32 $0x600, s11;
	s12 =	sshrl.u32 @!p0 s1, $0x3  }
.LBB2_1:
0x1f: {  	[hbm:s11@s18], [sflag:s15] =	dma.strided @!p0 [spmem:s12@s13], $0x80, s16, $0x10   }
0x20: {  	s14 =	sadd.s32 $0xFFFFFFFF, s14;
	_ =	swait.ge @!p0 [sflag:s17], $0x80  }
0x21: {  	p1 =	sne.s32 s14, $0x0;
	[sflag:s17] =	ssyncset.done @!p0 $0x0  }
0x22: {  	[sflag:s17] =	ssyncadd.s32 @!p0 $0xFFFFFF80  }
0x23: {  	[tilespmem:s2], [sflag:$0x1] =	stream.linear.gather [hbm4b:s3+s2], $0x80, $0x38;
	[tilespmem:$0x1C0] =	vst v63  }
0x24: {  	_ = 	snop  }
0x25: {  	[tilespmem:s5], [sflag:$0x2] =	stream.linear.gather [hbm4b:s4+s2], $0x80, $0x38;
	[tilespmem:$0x1C0] =	vst v63  }
0x26: {  	[tilespmem:$0x130] =	vst v0  }
0x27: {  	[tilespmem:$0x120] =	vst v0  }
0x28: {  	[tilespmem:$0x100] =	vst v0  }
0x29: {  	[tilespmem:$0x110] =	vst v0  }
0x2a: {  	[spmem:s6] =	stream.linear.scatter [tilespmem:s7], [sflag:$0x3], $0x40, $0x38;
	[tilespmem:$0x1C0] =	vst v63  }
0x2b: {  	_ =	swait.ge [sflag:s8], $0x40  }
0x2c: {  	[sflag:s8] =	ssyncset.done $0x0  }
0x2d: {  	[sflag:s8] =	ssyncadd.s32 $0xFFFFFFC0  }
0x2e: {  	_ =	swait.ge [sflag:s9], $0x80  }
0x2f: {  	[sflag:s9] =	ssyncset.done $0x0  }
0x30: {  	[sflag:s9] =	ssyncadd.s32 $0xFFFFFF80  }
0x31: {  	_ =	swait.ge [sflag:s10], $0x80  }
0x32: {  	[sflag:s10] =	ssyncset.done $0x0  }
0x33: {  	[sflag:s10] =	ssyncadd.s32 $0xFFFFFF80  }
0x34: {  	[bflag:$0x0] =	sbarrier.arrive $0xFFFF  }
0x35: {  	[spmem:s1] =	stream.indirect.scatter.add.f32 [tilespmem:s5], [sflag:$0x3], $0x1, s2, s5, $0xb8;
	[tilespmem:$0x1C0] =	vst v63  }
.Ltmp1:
0x36: {  	_ =	swait.ge [sflag:s8], $0x80;
	(pc) =	sbr.rel @p1 .LBB2_1-.Ltmp1, $3  }
0x37: {  	[sflag:s8] =	ssyncset.done $0x0  }
0x38: {  	[sflag:s8] =	ssyncadd.s32 $0xFFFFFF80  }
0x39: {  	[bflag:$0x0] =	sbarrier.arrive $0xFFFF;
	_ =	sdelay $0x1  }
.LBB2_2:
0x3a: {  	[hbm:s11@s18], [sflag:s15] =	dma.strided @!p0 [spmem:s12@s13], $0x80, s16, $0x10   }
0x3b: {  	_ =	swait.ge @!p0 [sflag:s17], $0x80  }
0x3c: {  	[sflag:s17] =	ssyncset.done @!p0 $0x0  }
0x3d: {  	[sflag:s17] =	ssyncadd.s32 @!p0 $0xFFFFFF80  }
0x3e: {  	_ =	sfence.sel $0x180000  }
0x3f: {  	[bflag:$0x0] =	sbarrier.arrive $0xFFFF  }
0x40: {  	_ =	strace $0x90000047  }
0x41: {  	s0 =	sadd.s32 @!p0 $0x100000, s0;
	[bflag:$0x2] =	sbarrier.arrive $0xFFFF  }
0x42: {  	[sflag:s0] =	ssyncadd.tile.s32 @!p0 $0x1;
	_ =	shalt  }
.Lfunc_end2:
_tile_overlayer_lowered:
.L_overlay_start_2:
0x43: {  	(tag) =	ssettag $0x2  }
0x44: {  	s0 =	rddreg [dreg:$0x0];
	s2 =	stileid.u32  }
0x45: {  	s1 =	rddreg [dreg:$0x1];
	p0 =	sne.s32 s2, $0x0  }
0x46: {  	s3 =	rddreg [dreg:$0x2];
	[bflag:$0x3] =	sbarrier.arrive $0xFFFF;
	s2 =	simm.s32 @!p0 $0x1C03  }
0x47: {  	[timem:s3], [sflag:s2] =	dma.local @!p0 [hbm:s0], s1  }
0x48: {  	s0 =	simm.s32 @!p0 $0x3  }
0x49: {  	_ =	swait.ge @!p0 [sflag:s0], s1  }
0x4a: {  	s1 =	ssub.s32 @!p0 $0x0, s1;
	[sflag:s0] =	ssyncset.done @!p0 $0x0  }
0x4b: {  	[sflag:s0] =	ssyncadd.s32 @!p0 s1  }
0x4c: {  	[bflag:$0x3] =	sbarrier.arrive $0xFFFF  }
0x4d: {  	_ =	shalt  }

</sc_bundles>
